<compile_context>
chip_gen: v7x
topology: tpu7x:2x2x1
jax: 0.10.2.dev20260603
libtpu: 0.0.44.dev20260713+nightly
codegen_flags: <defaults>
</compile_context>

<pallas_src>
import functools

import jax
import jax.numpy as jnp
from jax import lax
from jax.experimental import pallas as pl
from jax.experimental.pallas import tpu as pltpu
from jax.experimental.pallas import tpu_sc as plsc

_N = 16384 * 3 * 2
_NW = 16
_CHUNK = _N // _NW
_HALF = _CHUNK // 2
_PERIOD = 6


def _sc_body(x_hbm, w_hbm, out_hbm, xv, wv, isem, osem):
    base = lax.axis_index("s") * _CHUNK
    hw = pltpu.async_copy(w_hbm, wv, isem)
    h0 = pltpu.async_copy(x_hbm.at[pl.ds(base, _HALF)], xv.at[pl.ds(0, _HALF)],
                          isem)
    h1 = pltpu.async_copy(x_hbm.at[pl.ds(base + _HALF, _HALF)],
                          xv.at[pl.ds(_HALF, _HALF)], isem)
    hw.wait()
    bias = [wv[pl.ds(v * 16, 16)] for v in range(3)]

    def add_half(off):
        @plsc.parallel_loop(0, _HALF // 96, unroll=4)
        def _(g):
            b0 = off + g * 96
            for v in range(6):
                sl = pl.ds(b0 + v * 16, 16)
                xv[sl] = xv[sl] + bias[v % 3]

    h0.wait()
    add_half(0)
    o0 = pltpu.async_copy(xv.at[pl.ds(0, _HALF)],
                          out_hbm.at[pl.ds(base, _HALF)], osem)
    h1.wait()
    add_half(_HALF)
    o1 = pltpu.async_copy(xv.at[pl.ds(_HALF, _HALF)],
                          out_hbm.at[pl.ds(base + _HALF, _HALF)], osem)
    o0.wait()
    o1.wait()


_sc_add = functools.partial(
    pl.kernel,
    out_type=jax.ShapeDtypeStruct((_N,), jnp.float32),
    mesh=plsc.VectorSubcoreMesh(core_axis_name="c", subcore_axis_name="s",
                                num_cores=1),
    scratch_types=[
        pltpu.VMEM((_CHUNK,), jnp.float32),
        pltpu.VMEM((48,), jnp.float32),
        pltpu.SemaphoreType.DMA,
        pltpu.SemaphoreType.DMA,
    ],
)(_sc_body)


def kernel(x, W768):
    wflat = W768[: x.shape[1]].reshape(-1)
    wtiled = jnp.tile(wflat, 48 // wflat.shape[0])
    out = _sc_add(x.reshape(-1), wtiled)
    return out.reshape(x.shape)

# --- scband reference (transcript-rebuilt; emitter-appended) ---
"""Pipeline reference for scband-fake-query-model-22196390986341 (READ-ONLY COPY).

The authoritative reference and input builder live on the scoring server;
editing this copy changes nothing except your own understanding.
"""

import jax, jax.numpy as jnp
import numpy as np

def setup_inputs(seed: int = 0) -> dict:
    key = jax.random.key(seed)
    x = jax.random.normal(key, (16384, 3, 2), dtype=jnp.float32)
    # learned parameters (fixed init per original module)
    W768 = jnp.array([[3.0, 0.0], [0.0, 2.0], [1.0, 1.0]], dtype=jnp.float32)
    W1024 = jnp.array([[1.0, 0.0], [0.0, 1.0], [1.0, 1.0], [-1.0, 1.0]], dtype=jnp.float32)
    return {"x": x, "W768": W768}

def reference(x, W768):
    # query_bank = self.query_768.weight[:x.shape[1]].unsqueeze(0)
    query_bank = W768[: x.shape[1]][None, :, :]
    return x + query_bank

if __name__ == "__main__":
    import jax
    _d = setup_inputs()
    print(jax.jit(kernel)(*tuple(_d.values())))

</pallas_src>

<mosaic_0001>
#map = affine_map<(d0, d1) -> (0)>
module attributes {stable_mosaic.version = 14 : i64} {
  func.func @_sc_body(%arg0: i32, %arg1: i32, %arg2: memref<98304xf32, #tpu.memory_space<hbm>>, %arg3: memref<48xf32, #tpu.memory_space<hbm>>, %arg4: memref<98304xf32, #tpu.memory_space<hbm>>, %arg5: memref<6144xf32, #tpu.memory_space<vmem>>, %arg6: memref<48xf32, #tpu.memory_space<vmem>>, %arg7: memref<!tpu.dma_semaphore, #tpu.memory_space<semaphore_mem>>, %arg8: memref<!tpu.dma_semaphore, #tpu.memory_space<semaphore_mem>>) attributes {dimension_semantics = [#tpu.dimension_semantics<core_parallel>, #tpu.dimension_semantics<subcore_parallel>], iteration_bounds = array<i64: 1, 16>, scalar_prefetch = 0 : i64, scratch_operands = 4 : i64, tpu.core_type = #tpu.core_type<sc_vector_subcore>, window_params = [{transform_indices = #map}, {transform_indices = #map}, {transform_indices = #map}]} {
    %mul3A = arith.constant 6144 : i32
    %mul3A_0 = arith.muli %arg1, %mul3A : i32
    tpu.enqueue_dma source(%arg3 : memref<48xf32, #tpu.memory_space<hbm>>) target(%arg6 : memref<48xf32, #tpu.memory_space<vmem>>) target_semaphore(%arg7 : memref<!tpu.dma_semaphore, #tpu.memory_space<semaphore_mem>>)
    %dma_start3A = arith.constant 0 : i32
    %dma_start3A_1 = tpu.memref_slice %arg5[%dma_start3A] : memref<6144xf32, #tpu.memory_space<vmem>> -> memref<3072xf32, #tpu.memory_space<vmem>>
    %dma_start3A_2 = tpu.memref_slice %arg2[%mul3A_0] : memref<98304xf32, #tpu.memory_space<hbm>> -> memref<3072xf32, #tpu.memory_space<hbm>>
    %dma_start3A_3 = arith.constant 0 : i32
    %dma_start3A_4 = tpu.memref_slice %arg5[%dma_start3A_3] : memref<6144xf32, #tpu.memory_space<vmem>> -> memref<3072xf32, #tpu.memory_space<vmem>>
    %dma_start3A_5 = tpu.memref_slice %arg2[%mul3A_0] : memref<98304xf32, #tpu.memory_space<hbm>> -> memref<3072xf32, #tpu.memory_space<hbm>>
    tpu.enqueue_dma source(%dma_start3A_5 : memref<3072xf32, #tpu.memory_space<hbm>>) target(%dma_start3A_4 : memref<3072xf32, #tpu.memory_space<vmem>>) target_semaphore(%arg7 : memref<!tpu.dma_semaphore, #tpu.memory_space<semaphore_mem>>)
    %add3A = arith.constant 3072 : i32
    %add3A_6 = arith.addi %mul3A_0, %add3A : i32
    %dma_start3A_7 = arith.constant 3072 : i32
    %dma_start3A_8 = tpu.memref_slice %arg5[%dma_start3A_7] : memref<6144xf32, #tpu.memory_space<vmem>> -> memref<3072xf32, #tpu.memory_space<vmem>>
    %dma_start3A_9 = tpu.memref_slice %arg2[%add3A_6] : memref<98304xf32, #tpu.memory_space<hbm>> -> memref<3072xf32, #tpu.memory_space<hbm>>
    %dma_start3A_10 = arith.constant 3072 : i32
    %dma_start3A_11 = tpu.memref_slice %arg5[%dma_start3A_10] : memref<6144xf32, #tpu.memory_space<vmem>> -> memref<3072xf32, #tpu.memory_space<vmem>>
    %dma_start3A_12 = tpu.memref_slice %arg2[%add3A_6] : memref<98304xf32, #tpu.memory_space<hbm>> -> memref<3072xf32, #tpu.memory_space<hbm>>
    tpu.enqueue_dma source(%dma_start3A_12 : memref<3072xf32, #tpu.memory_space<hbm>>) target(%dma_start3A_11 : memref<3072xf32, #tpu.memory_space<vmem>>) target_semaphore(%arg7 : memref<!tpu.dma_semaphore, #tpu.memory_space<semaphore_mem>>)
    tpu.wait_dma2 semaphore(%arg7 : memref<!tpu.dma_semaphore, #tpu.memory_space<semaphore_mem>>) src(%arg3 : memref<48xf32, #tpu.memory_space<hbm>>) dst(%arg6 : memref<48xf32, #tpu.memory_space<vmem>>)
    %get3A = arith.constant 0 : index
    %get3A_13 = tpu.vector_load %arg6[%get3A] {strides = array<i32>} : memref<48xf32, #tpu.memory_space<vmem>>, vector<16xf32>,
    %get3A_14 = vector.shape_cast %get3A_13 : vector<16xf32> to vector<16xf32>
    %get3A_15 = arith.constant 16 : index
    %get3A_16 = tpu.vector_load %arg6[%get3A_15] {strides = array<i32>} : memref<48xf32, #tpu.memory_space<vmem>>, vector<16xf32>,
    %get3A_17 = vector.shape_cast %get3A_16 : vector<16xf32> to vector<16xf32>
    %get3A_18 = arith.constant 32 : index
    %get3A_19 = tpu.vector_load %arg6[%get3A_18] {strides = array<i32>} : memref<48xf32, #tpu.memory_space<vmem>>, vector<16xf32>,
    %get3A_20 = vector.shape_cast %get3A_19 : vector<16xf32> to vector<16xf32>
    %dma_wait3A = arith.constant 0 : i32
    %dma_wait3A_21 = tpu.memref_slice %arg5[%dma_wait3A] : memref<6144xf32, #tpu.memory_space<vmem>> -> memref<3072xf32, #tpu.memory_space<vmem>>
    %dma_wait3A_22 = tpu.memref_slice %arg2[%mul3A_0] : memref<98304xf32, #tpu.memory_space<hbm>> -> memref<3072xf32, #tpu.memory_space<hbm>>
    %dma_wait3A_23 = arith.constant 0 : i32
    %dma_wait3A_24 = tpu.memref_slice %arg5[%dma_wait3A_23] : memref<6144xf32, #tpu.memory_space<vmem>> -> memref<3072xf32, #tpu.memory_space<vmem>>
    %dma_wait3A_25 = tpu.memref_slice %arg2[%mul3A_0] : memref<98304xf32, #tpu.memory_space<hbm>> -> memref<3072xf32, #tpu.memory_space<hbm>>
    tpu.wait_dma2 semaphore(%arg7 : memref<!tpu.dma_semaphore, #tpu.memory_space<semaphore_mem>>) src(%dma_wait3A_25 : memref<3072xf32, #tpu.memory_space<hbm>>) dst(%dma_wait3A_24 : memref<3072xf32, #tpu.memory_space<vmem>>)
    %parallel_loop3A = arith.constant 0 : i32
    %parallel_loop3A_26 = arith.constant 32 : i32
    %parallel_loop3A_27 = arith.constant 1 : i32
    scf.for %parallel_loop3A_63 = %parallel_loop3A to %parallel_loop3A_26 step %parallel_loop3A_27  : i32 {
      %parallel_loop3A_64 = arith.constant 96 : i32
      %parallel_loop3A_65 = arith.muli %parallel_loop3A_63, %parallel_loop3A_64 : i32
      %parallel_loop3A_66 = arith.constant 0 : i32
      %parallel_loop3A_67 = arith.addi %parallel_loop3A_66, %parallel_loop3A_65 : i32
      %parallel_loop3A_68 = arith.constant 0 : i32
      %parallel_loop3A_69 = arith.addi %parallel_loop3A_67, %parallel_loop3A_68 : i32
      %parallel_loop3A_70 = arith.index_cast %parallel_loop3A_69 : i32 to index
      %parallel_loop3A_71 = tpu.vector_load %arg5[%parallel_loop3A_70] {strides = array<i32>} : memref<6144xf32, #tpu.memory_space<vmem>>, vector<16xf32>,
      %parallel_loop3A_72 = vector.shape_cast %parallel_loop3A_71 : vector<16xf32> to vector<16xf32>
      %parallel_loop3A_73 = arith.addf %parallel_loop3A_72, %get3A_14 : vector<16xf32>
      %parallel_loop3A_74 = arith.index_cast %parallel_loop3A_69 : i32 to index
      %parallel_loop3A_75 = tpu.vector_load %arg5[%parallel_loop3A_74] {strides = array<i32>} : memref<6144xf32, #tpu.memory_space<vmem>>, vector<16xf32>,
      %parallel_loop3A_76 = vector.shape_cast %parallel_loop3A_75 : vector<16xf32> to vector<16xf32>
      %parallel_loop3A_77 = vector.shape_cast %parallel_loop3A_73 : vector<16xf32> to vector<16xf32>
      tpu.vector_store %arg5[%parallel_loop3A_74], %parallel_loop3A_77 {strides = array<i32>} : memref<6144xf32, #tpu.memory_space<vmem>>, vector<16xf32>,
      %parallel_loop3A_78 = arith.constant 16 : i32
      %parallel_loop3A_79 = arith.addi %parallel_loop3A_67, %parallel_loop3A_78 : i32
      %parallel_loop3A_80 = arith.index_cast %parallel_loop3A_79 : i32 to index
      %parallel_loop3A_81 = tpu.vector_load %arg5[%parallel_loop3A_80] {strides = array<i32>} : memref<6144xf32, #tpu.memory_space<vmem>>, vector<16xf32>,
      %parallel_loop3A_82 = vector.shape_cast %parallel_loop3A_81 : vector<16xf32> to vector<16xf32>
      %parallel_loop3A_83 = arith.addf %parallel_loop3A_82, %get3A_17 : vector<16xf32>
      %parallel_loop3A_84 = arith.index_cast %parallel_loop3A_79 : i32 to index
      %parallel_loop3A_85 = tpu.vector_load %arg5[%parallel_loop3A_84] {strides = array<i32>} : memref<6144xf32, #tpu.memory_space<vmem>>, vector<16xf32>,
      %parallel_loop3A_86 = vector.shape_cast %parallel_loop3A_85 : vector<16xf32> to vector<16xf32>
      %parallel_loop3A_87 = vector.shape_cast %parallel_loop3A_83 : vector<16xf32> to vector<16xf32>
      tpu.vector_store %arg5[%parallel_loop3A_84], %parallel_loop3A_87 {strides = array<i32>} : memref<6144xf32, #tpu.memory_space<vmem>>, vector<16xf32>,
      %parallel_loop3A_88 = arith.constant 32 : i32
      %parallel_loop3A_89 = arith.addi %parallel_loop3A_67, %parallel_loop3A_88 : i32
      %parallel_loop3A_90 = arith.index_cast %parallel_loop3A_89 : i32 to index
      %parallel_loop3A_91 = tpu.vector_load %arg5[%parallel_loop3A_90] {strides = array<i32>} : memref<6144xf32, #tpu.memory_space<vmem>>, vector<16xf32>,
      %parallel_loop3A_92 = vector.shape_cast %parallel_loop3A_91 : vector<16xf32> to vector<16xf32>
      %parallel_loop3A_93 = arith.addf %parallel_loop3A_92, %get3A_20 : vector<16xf32>
      %parallel_loop3A_94 = arith.index_cast %parallel_loop3A_89 : i32 to index
      %parallel_loop3A_95 = tpu.vector_load %arg5[%parallel_loop3A_94] {strides = array<i32>} : memref<6144xf32, #tpu.memory_space<vmem>>, vector<16xf32>,
      %parallel_loop3A_96 = vector.shape_cast %parallel_loop3A_95 : vector<16xf32> to vector<16xf32>
      %parallel_loop3A_97 = vector.shape_cast %parallel_loop3A_93 : vector<16xf32> to vector<16xf32>
      tpu.vector_store %arg5[%parallel_loop3A_94], %parallel_loop3A_97 {strides = array<i32>} : memref<6144xf32, #tpu.memory_space<vmem>>, vector<16xf32>,
      %parallel_loop3A_98 = arith.constant 48 : i32
      %parallel_loop3A_99 = arith.addi %parallel_loop3A_67, %parallel_loop3A_98 : i32
      %parallel_loop3A_100 = arith.index_cast %parallel_loop3A_99 : i32 to index
      %parallel_loop3A_101 = tpu.vector_load %arg5[%parallel_loop3A_100] {strides = array<i32>} : memref<6144xf32, #tpu.memory_space<vmem>>, vector<16xf32>,
      %parallel_loop3A_102 = vector.shape_cast %parallel_loop3A_101 : vector<16xf32> to vector<16xf32>
      %parallel_loop3A_103 = arith.addf %parallel_loop3A_102, %get3A_14 : vector<16xf32>
      %parallel_loop3A_104 = arith.index_cast %parallel_loop3A_99 : i32 to index
      %parallel_loop3A_105 = tpu.vector_load %arg5[%parallel_loop3A_104] {strides = array<i32>} : memref<6144xf32, #tpu.memory_space<vmem>>, vector<16xf32>,
      %parallel_loop3A_106 = vector.shape_cast %parallel_loop3A_105 : vector<16xf32> to vector<16xf32>
      %parallel_loop3A_107 = vector.shape_cast %parallel_loop3A_103 : vector<16xf32> to vector<16xf32>
      tpu.vector_store %arg5[%parallel_loop3A_104], %parallel_loop3A_107 {strides = array<i32>} : memref<6144xf32, #tpu.memory_space<vmem>>, vector<16xf32>,
      %parallel_loop3A_108 = arith.constant 64 : i32
      %parallel_loop3A_109 = arith.addi %parallel_loop3A_67, %parallel_loop3A_108 : i32
      %parallel_loop3A_110 = arith.index_cast %parallel_loop3A_109 : i32 to index
      %parallel_loop3A_111 = tpu.vector_load %arg5[%parallel_loop3A_110] {strides = array<i32>} : memref<6144xf32, #tpu.memory_space<vmem>>, vector<16xf32>,
      %parallel_loop3A_112 = vector.shape_cast %parallel_loop3A_111 : vector<16xf32> to vector<16xf32>
      %parallel_loop3A_113 = arith.addf %parallel_loop3A_112, %get3A_17 : vector<16xf32>
      %parallel_loop3A_114 = arith.index_cast %parallel_loop3A_109 : i32 to index
      %parallel_loop3A_115 = tpu.vector_load %arg5[%parallel_loop3A_114] {strides = array<i32>} : memref<6144xf32, #tpu.memory_space<vmem>>, vector<16xf32>,
      %parallel_loop3A_116 = vector.shape_cast %parallel_loop3A_115 : vector<16xf32> to vector<16xf32>
      %parallel_loop3A_117 = vector.shape_cast %parallel_loop3A_113 : vector<16xf32> to vector<16xf32>
      tpu.vector_store %arg5[%parallel_loop3A_114], %parallel_loop3A_117 {strides = array<i32>} : memref<6144xf32, #tpu.memory_space<vmem>>, vector<16xf32>,
      %parallel_loop3A_118 = arith.constant 80 : i32
      %parallel_loop3A_119 = arith.addi %parallel_loop3A_67, %parallel_loop3A_118 : i32
      %parallel_loop3A_120 = arith.index_cast %parallel_loop3A_119 : i32 to index
      %parallel_loop3A_121 = tpu.vector_load %arg5[%parallel_loop3A_120] {strides = array<i32>} : memref<6144xf32, #tpu.memory_space<vmem>>, vector<16xf32>,
      %parallel_loop3A_122 = vector.shape_cast %parallel_loop3A_121 : vector<16xf32> to vector<16xf32>
      %parallel_loop3A_123 = arith.addf %parallel_loop3A_122, %get3A_20 : vector<16xf32>
      %parallel_loop3A_124 = arith.index_cast %parallel_loop3A_119 : i32 to index
      %parallel_loop3A_125 = tpu.vector_load %arg5[%parallel_loop3A_124] {strides = array<i32>} : memref<6144xf32, #tpu.memory_space<vmem>>, vector<16xf32>,
      %parallel_loop3A_126 = vector.shape_cast %parallel_loop3A_125 : vector<16xf32> to vector<16xf32>
      %parallel_loop3A_127 = vector.shape_cast %parallel_loop3A_123 : vector<16xf32> to vector<16xf32>
      tpu.vector_store %arg5[%parallel_loop3A_124], %parallel_loop3A_127 {strides = array<i32>} : memref<6144xf32, #tpu.memory_space<vmem>>, vector<16xf32>,
    } {sc.loop_unroll_factor = 4 : i64, sc.parallel_access}
    %dma_start3A_28 = arith.constant 0 : i32
    %dma_start3A_29 = tpu.memref_slice %arg5[%dma_start3A_28] : memref<6144xf32, #tpu.memory_space<vmem>> -> memref<3072xf32, #tpu.memory_space<vmem>>
    %dma_start3A_30 = tpu.memref_slice %arg4[%mul3A_0] : memref<98304xf32, #tpu.memory_space<hbm>> -> memref<3072xf32, #tpu.memory_space<hbm>>
    %dma_start3A_31 = tpu.memref_slice %arg4[%mul3A_0] : memref<98304xf32, #tpu.memory_space<hbm>> -> memref<3072xf32, #tpu.memory_space<hbm>>
    %dma_start3A_32 = arith.constant 0 : i32
    %dma_start3A_33 = tpu.memref_slice %arg5[%dma_start3A_32] : memref<6144xf32, #tpu.memory_space<vmem>> -> memref<3072xf32, #tpu.memory_space<vmem>>
    tpu.enqueue_dma source(%dma_start3A_33 : memref<3072xf32, #tpu.memory_space<vmem>>) target(%dma_start3A_31 : memref<3072xf32, #tpu.memory_space<hbm>>) target_semaphore(%arg8 : memref<!tpu.dma_semaphore, #tpu.memory_space<semaphore_mem>>)
    %dma_wait3A_34 = arith.constant 3072 : i32
    %dma_wait3A_35 = tpu.memref_slice %arg5[%dma_wait3A_34] : memref<6144xf32, #tpu.memory_space<vmem>> -> memref<3072xf32, #tpu.memory_space<vmem>>
    %dma_wait3A_36 = tpu.memref_slice %arg2[%add3A_6] : memref<98304xf32, #tpu.memory_space<hbm>> -> memref<3072xf32, #tpu.memory_space<hbm>>
    %dma_wait3A_37 = arith.constant 3072 : i32
    %dma_wait3A_38 = tpu.memref_slice %arg5[%dma_wait3A_37] : memref<6144xf32, #tpu.memory_space<vmem>> -> memref<3072xf32, #tpu.memory_space<vmem>>
    %dma_wait3A_39 = tpu.memref_slice %arg2[%add3A_6] : memref<98304xf32, #tpu.memory_space<hbm>> -> memref<3072xf32, #tpu.memory_space<hbm>>
    tpu.wait_dma2 semaphore(%arg7 : memref<!tpu.dma_semaphore, #tpu.memory_space<semaphore_mem>>) src(%dma_wait3A_39 : memref<3072xf32, #tpu.memory_space<hbm>>) dst(%dma_wait3A_38 : memref<3072xf32, #tpu.memory_space<vmem>>)
    %parallel_loop3A_40 = arith.constant 0 : i32
    %parallel_loop3A_41 = arith.constant 32 : i32
    %parallel_loop3A_42 = arith.constant 1 : i32
    scf.for %parallel_loop3A_63 = %parallel_loop3A_40 to %parallel_loop3A_41 step %parallel_loop3A_42  : i32 {
      %parallel_loop3A_64 = arith.constant 96 : i32
      %parallel_loop3A_65 = arith.muli %parallel_loop3A_63, %parallel_loop3A_64 : i32
      %parallel_loop3A_66 = arith.constant 3072 : i32
      %parallel_loop3A_67 = arith.addi %parallel_loop3A_66, %parallel_loop3A_65 : i32
      %parallel_loop3A_68 = arith.constant 0 : i32
      %parallel_loop3A_69 = arith.addi %parallel_loop3A_67, %parallel_loop3A_68 : i32
      %parallel_loop3A_70 = arith.index_cast %parallel_loop3A_69 : i32 to index
      %parallel_loop3A_71 = tpu.vector_load %arg5[%parallel_loop3A_70] {strides = array<i32>} : memref<6144xf32, #tpu.memory_space<vmem>>, vector<16xf32>,
      %parallel_loop3A_72 = vector.shape_cast %parallel_loop3A_71 : vector<16xf32> to vector<16xf32>
      %parallel_loop3A_73 = arith.addf %parallel_loop3A_72, %get3A_14 : vector<16xf32>
      %parallel_loop3A_74 = arith.index_cast %parallel_loop3A_69 : i32 to index
      %parallel_loop3A_75 = tpu.vector_load %arg5[%parallel_loop3A_74] {strides = array<i32>} : memref<6144xf32, #tpu.memory_space<vmem>>, vector<16xf32>,
      %parallel_loop3A_76 = vector.shape_cast %parallel_loop3A_75 : vector<16xf32> to vector<16xf32>
      %parallel_loop3A_77 = vector.shape_cast %parallel_loop3A_73 : vector<16xf32> to vector<16xf32>
      tpu.vector_store %arg5[%parallel_loop3A_74], %parallel_loop3A_77 {strides = array<i32>} : memref<6144xf32, #tpu.memory_space<vmem>>, vector<16xf32>,
      %parallel_loop3A_78 = arith.constant 16 : i32
      %parallel_loop3A_79 = arith.addi %parallel_loop3A_67, %parallel_loop3A_78 : i32
      %parallel_loop3A_80 = arith.index_cast %parallel_loop3A_79 : i32 to index
      %parallel_loop3A_81 = tpu.vector_load %arg5[%parallel_loop3A_80] {strides = array<i32>} : memref<6144xf32, #tpu.memory_space<vmem>>, vector<16xf32>,
      %parallel_loop3A_82 = vector.shape_cast %parallel_loop3A_81 : vector<16xf32> to vector<16xf32>
      %parallel_loop3A_83 = arith.addf %parallel_loop3A_82, %get3A_17 : vector<16xf32>
      %parallel_loop3A_84 = arith.index_cast %parallel_loop3A_79 : i32 to index
      %parallel_loop3A_85 = tpu.vector_load %arg5[%parallel_loop3A_84] {strides = array<i32>} : memref<6144xf32, #tpu.memory_space<vmem>>, vector<16xf32>,
      %parallel_loop3A_86 = vector.shape_cast %parallel_loop3A_85 : vector<16xf32> to vector<16xf32>
      %parallel_loop3A_87 = vector.shape_cast %parallel_loop3A_83 : vector<16xf32> to vector<16xf32>
      tpu.vector_store %arg5[%parallel_loop3A_84], %parallel_loop3A_87 {strides = array<i32>} : memref<6144xf32, #tpu.memory_space<vmem>>, vector<16xf32>,
      %parallel_loop3A_88 = arith.constant 32 : i32
      %parallel_loop3A_89 = arith.addi %parallel_loop3A_67, %parallel_loop3A_88 : i32
      %parallel_loop3A_90 = arith.index_cast %parallel_loop3A_89 : i32 to index
      %parallel_loop3A_91 = tpu.vector_load %arg5[%parallel_loop3A_90] {strides = array<i32>} : memref<6144xf32, #tpu.memory_space<vmem>>, vector<16xf32>,
      %parallel_loop3A_92 = vector.shape_cast %parallel_loop3A_91 : vector<16xf32> to vector<16xf32>
      %parallel_loop3A_93 = arith.addf %parallel_loop3A_92, %get3A_20 : vector<16xf32>
      %parallel_loop3A_94 = arith.index_cast %parallel_loop3A_89 : i32 to index
      %parallel_loop3A_95 = tpu.vector_load %arg5[%parallel_loop3A_94] {strides = array<i32>} : memref<6144xf32, #tpu.memory_space<vmem>>, vector<16xf32>,
      %parallel_loop3A_96 = vector.shape_cast %parallel_loop3A_95 : vector<16xf32> to vector<16xf32>
      %parallel_loop3A_97 = vector.shape_cast %parallel_loop3A_93 : vector<16xf32> to vector<16xf32>
      tpu.vector_store %arg5[%parallel_loop3A_94], %parallel_loop3A_97 {strides = array<i32>} : memref<6144xf32, #tpu.memory_space<vmem>>, vector<16xf32>,
      %parallel_loop3A_98 = arith.constant 48 : i32
      %parallel_loop3A_99 = arith.addi %parallel_loop3A_67, %parallel_loop3A_98 : i32
      %parallel_loop3A_100 = arith.index_cast %parallel_loop3A_99 : i32 to index
      %parallel_loop3A_101 = tpu.vector_load %arg5[%parallel_loop3A_100] {strides = array<i32>} : memref<6144xf32, #tpu.memory_space<vmem>>, vector<16xf32>,
      %parallel_loop3A_102 = vector.shape_cast %parallel_loop3A_101 : vector<16xf32> to vector<16xf32>
      %parallel_loop3A_103 = arith.addf %parallel_loop3A_102, %get3A_14 : vector<16xf32>
      %parallel_loop3A_104 = arith.index_cast %parallel_loop3A_99 : i32 to index
      %parallel_loop3A_105 = tpu.vector_load %arg5[%parallel_loop3A_104] {strides = array<i32>} : memref<6144xf32, #tpu.memory_space<vmem>>, vector<16xf32>,
      %parallel_loop3A_106 = vector.shape_cast %parallel_loop3A_105 : vector<16xf32> to vector<16xf32>
      %parallel_loop3A_107 = vector.shape_cast %parallel_loop3A_103 : vector<16xf32> to vector<16xf32>
      tpu.vector_store %arg5[%parallel_loop3A_104], %parallel_loop3A_107 {strides = array<i32>} : memref<6144xf32, #tpu.memory_space<vmem>>, vector<16xf32>,
      %parallel_loop3A_108 = arith.constant 64 : i32
      %parallel_loop3A_109 = arith.addi %parallel_loop3A_67, %parallel_loop3A_108 : i32
      %parallel_loop3A_110 = arith.index_cast %parallel_loop3A_109 : i32 to index
      %parallel_loop3A_111 = tpu.vector_load %arg5[%parallel_loop3A_110] {strides = array<i32>} : memref<6144xf32, #tpu.memory_space<vmem>>, vector<16xf32>,
      %parallel_loop3A_112 = vector.shape_cast %parallel_loop3A_111 : vector<16xf32> to vector<16xf32>
      %parallel_loop3A_113 = arith.addf %parallel_loop3A_112, %get3A_17 : vector<16xf32>
      %parallel_loop3A_114 = arith.index_cast %parallel_loop3A_109 : i32 to index
      %parallel_loop3A_115 = tpu.vector_load %arg5[%parallel_loop3A_114] {strides = array<i32>} : memref<6144xf32, #tpu.memory_space<vmem>>, vector<16xf32>,
      %parallel_loop3A_116 = vector.shape_cast %parallel_loop3A_115 : vector<16xf32> to vector<16xf32>
      %parallel_loop3A_117 = vector.shape_cast %parallel_loop3A_113 : vector<16xf32> to vector<16xf32>
      tpu.vector_store %arg5[%parallel_loop3A_114], %parallel_loop3A_117 {strides = array<i32>} : memref<6144xf32, #tpu.memory_space<vmem>>, vector<16xf32>,
      %parallel_loop3A_118 = arith.constant 80 : i32
      %parallel_loop3A_119 = arith.addi %parallel_loop3A_67, %parallel_loop3A_118 : i32
      %parallel_loop3A_120 = arith.index_cast %parallel_loop3A_119 : i32 to index
      %parallel_loop3A_121 = tpu.vector_load %arg5[%parallel_loop3A_120] {strides = array<i32>} : memref<6144xf32, #tpu.memory_space<vmem>>, vector<16xf32>,
      %parallel_loop3A_122 = vector.shape_cast %parallel_loop3A_121 : vector<16xf32> to vector<16xf32>
      %parallel_loop3A_123 = arith.addf %parallel_loop3A_122, %get3A_20 : vector<16xf32>
      %parallel_loop3A_124 = arith.index_cast %parallel_loop3A_119 : i32 to index
      %parallel_loop3A_125 = tpu.vector_load %arg5[%parallel_loop3A_124] {strides = array<i32>} : memref<6144xf32, #tpu.memory_space<vmem>>, vector<16xf32>,
      %parallel_loop3A_126 = vector.shape_cast %parallel_loop3A_125 : vector<16xf32> to vector<16xf32>
      %parallel_loop3A_127 = vector.shape_cast %parallel_loop3A_123 : vector<16xf32> to vector<16xf32>
      tpu.vector_store %arg5[%parallel_loop3A_124], %parallel_loop3A_127 {strides = array<i32>} : memref<6144xf32, #tpu.memory_space<vmem>>, vector<16xf32>,
    } {sc.loop_unroll_factor = 4 : i64, sc.parallel_access}
    %add3A_43 = arith.constant 3072 : i32
    %add3A_44 = arith.addi %mul3A_0, %add3A_43 : i32
    %dma_start3A_45 = arith.constant 3072 : i32
    %dma_start3A_46 = tpu.memref_slice %arg5[%dma_start3A_45] : memref<6144xf32, #tpu.memory_space<vmem>> -> memref<3072xf32, #tpu.memory_space<vmem>>
    %dma_start3A_47 = tpu.memref_slice %arg4[%add3A_44] : memref<98304xf32, #tpu.memory_space<hbm>> -> memref<3072xf32, #tpu.memory_space<hbm>>
    %dma_start3A_48 = tpu.memref_slice %arg4[%add3A_44] : memref<98304xf32, #tpu.memory_space<hbm>> -> memref<3072xf32, #tpu.memory_space<hbm>>
    %dma_start3A_49 = arith.constant 3072 : i32
    %dma_start3A_50 = tpu.memref_slice %arg5[%dma_start3A_49] : memref<6144xf32, #tpu.memory_space<vmem>> -> memref<3072xf32, #tpu.memory_space<vmem>>
    tpu.enqueue_dma source(%dma_start3A_50 : memref<3072xf32, #tpu.memory_space<vmem>>) target(%dma_start3A_48 : memref<3072xf32, #tpu.memory_space<hbm>>) target_semaphore(%arg8 : memref<!tpu.dma_semaphore, #tpu.memory_space<semaphore_mem>>)
    %dma_wait3A_51 = arith.constant 0 : i32
    %dma_wait3A_52 = tpu.memref_slice %arg5[%dma_wait3A_51] : memref<6144xf32, #tpu.memory_space<vmem>> -> memref<3072xf32, #tpu.memory_space<vmem>>
    %dma_wait3A_53 = tpu.memref_slice %arg4[%mul3A_0] : memref<98304xf32, #tpu.memory_space<hbm>> -> memref<3072xf32, #tpu.memory_space<hbm>>
    %dma_wait3A_54 = tpu.memref_slice %arg4[%mul3A_0] : memref<98304xf32, #tpu.memory_space<hbm>> -> memref<3072xf32, #tpu.memory_space<hbm>>
    %dma_wait3A_55 = arith.constant 0 : i32
    %dma_wait3A_56 = tpu.memref_slice %arg5[%dma_wait3A_55] : memref<6144xf32, #tpu.memory_space<vmem>> -> memref<3072xf32, #tpu.memory_space<vmem>>
    tpu.wait_dma2 semaphore(%arg8 : memref<!tpu.dma_semaphore, #tpu.memory_space<semaphore_mem>>) src(%dma_wait3A_56 : memref<3072xf32, #tpu.memory_space<vmem>>) dst(%dma_wait3A_54 : memref<3072xf32, #tpu.memory_space<hbm>>)
    %dma_wait3A_57 = arith.constant 3072 : i32
    %dma_wait3A_58 = tpu.memref_slice %arg5[%dma_wait3A_57] : memref<6144xf32, #tpu.memory_space<vmem>> -> memref<3072xf32, #tpu.memory_space<vmem>>
    %dma_wait3A_59 = tpu.memref_slice %arg4[%add3A_44] : memref<98304xf32, #tpu.memory_space<hbm>> -> memref<3072xf32, #tpu.memory_space<hbm>>
    %dma_wait3A_60 = tpu.memref_slice %arg4[%add3A_44] : memref<98304xf32, #tpu.memory_space<hbm>> -> memref<3072xf32, #tpu.memory_space<hbm>>
    %dma_wait3A_61 = arith.constant 3072 : i32
    %dma_wait3A_62 = tpu.memref_slice %arg5[%dma_wait3A_61] : memref<6144xf32, #tpu.memory_space<vmem>> -> memref<3072xf32, #tpu.memory_space<vmem>>
    tpu.wait_dma2 semaphore(%arg8 : memref<!tpu.dma_semaphore, #tpu.memory_space<semaphore_mem>>) src(%dma_wait3A_62 : memref<3072xf32, #tpu.memory_space<vmem>>) dst(%dma_wait3A_60 : memref<3072xf32, #tpu.memory_space<hbm>>)
    return
  }
}

</mosaic_0001>

<sc_bundles>
// kernel: kernel.3.cloned.1.call-start
scs
__scs_entry_jumppad:
0x0: {  	(pc) =	sbr.rel $0x88, $3  }
0x1: {  	(tag) =	ssettag $0x0;
	lr =	simm.s32 $0x1  }
0x2: {  	[smem:$0x3F9F] =	sst lr;
	_ =	strace $0xD0000000  }
0x3: {  	_ = 	snop  }
0x4: {  	_ = 	snop  }
0x5: {  	_ = 	snop  }
0x6: {  	_ = 	snop  }
0x7: {  	_ = 	snop  }
__scs_overlays_trampoline_lowered:
0x8: {  	[smem:$0x3FAE] =	sst s0  }
0x9: {  	[smem:$0x3FAF] =	sst s1  }
0xa: {  	[smem:$0x3FB0] =	sst s2  }
0xb: {  	[smem:$0x3FB1] =	sst s3  }
0xc: {  	[smem:$0x3FB2] =	sst s4  }
0xd: {  	[smem:$0x3FB3] =	sst s5  }
0xe: {  	[smem:$0x3FB4] =	sst s6  }
0xf: {  	[smem:$0x3FB5] =	sst s7  }
0x10: {  	[smem:$0x3FB6] =	sst s8  }
0x11: {  	[smem:$0x3FB7] =	sst s9;
	s0 =	simm.s32 @!p0 $0x0  }
0x12: {  	s1 =	sld [smem:$0x3F9D];
	s0 =	simm.s32 @p0 $0x1  }
0x13: {  	[smem:$0x3FB8] =	sst s0;
	s0 =	simm.s32 @!p1 $0x0  }
0x14: {  	s2 =	sld [smem:$0x3F9C];
	s0 =	simm.s32 @p1 $0x1  }
0x15: {  	[smem:$0x3FB9] =	sst s0;
	s0 =	simm.s32 @!p2 $0x0  }
0x16: {  	s3 =	sld [smem:$0x3FDB];
	s0 =	simm.s32 @p2 $0x1  }
0x17: {  	s4 =	simm.s32 $0x1BF5;
	[smem:$0x3FBB] =	sst s0  }
0x18: {  	s0 =	sld [smem:$0x3F9E];
	_ =	swait.ge [sflag:s4], $0x0  }
0x19: {  	s7 =	sld [smem:$0x3F9F]  }
0x1a: {  	s8 =	sadd.s32 $0xFFFFE003, lr  }
0x1b: {  	s9 =	sadd.s32 $0xFFFFFEF7, lr;
	s5 =	simm.s32 $0xFFFFFFFF;
	p2 =	slt.u32 s8, $0xFFFFF086  }
0x1c: {  	p1 =	slt.u32 s9, $0xF7A;
	s5 =	simm.s32 @!p2 $0x0  }
0x1d: {  	s5 =	simm.s32 @p1 $0x1;
	p0 =	seq.s32 s7, s2  }
0x1e: {  	s7 =	smul.u32 @!p0 $0xF7A, s2;
	p2 =	seq.s32 @!p0 s5, $0x0  }
0x1f: {  	s9 =	smul.u32 $0xF7A, s1;
	s8 =	simm.s32 @!p0 $0x1BF5;
	p2 =	por !p2, p0  }
0x20: {  	[sflag:s8] =	ssyncset.s32 @!p0 $0xFFFFF086;
	s6 =	sadd.s32 @!p0 s3, s7;
	s7 =	simm.s32 @!p0 $0x108  }
0x21: {  	s3 =	sadd.s32 s3, s9;
	s6 =	sadd.s32 @!p0 $0x88, s6;
	s7 =	simm.s32 @p2 $0x1082  }
0x22: {  	[simem:s7], [sflag:s8] =	dma.local @!p0 [hbm:s6], $0xF7A  }
0x23: {  	s9 =	sor.u32 $0xD0000000, s2;
	s6 =	simm.s32 $0x108;
	_ =	swait.ge @!p0 [sflag:s8], $0x0  }
0x24: {  	s3 =	sadd.s32 $0x88, s3;
	s6 =	simm.s32 @!p1 $0x1082;
	[sflag:s4] =	ssyncset.s32 $0xFFFFF086  }
0x25: {  	[simem:s6], [sflag:s4] =	dma.local [hbm:s3], $0xF7A  }
0x26: {  	[smem:$0x3F9F] =	sst s1;
	(tag) =	ssettag s2;
	_ =	strace s9  }
0x27: {  	s1 =	sld [smem:$0x3FAF]  }
0x28: {  	s2 =	sld [smem:$0x3FB0]  }
0x29: {  	s4 =	sld [smem:$0x3FB2]  }
0x2a: {  	p0 =	seq.s32 s5, $0x0;
	s5 =	sld [smem:$0x3FB3]  }
0x2b: {  	s6 =	sld [smem:$0x3FB4]  }
0x2c: {  	s7 =	sld [smem:$0x3FB5]  }
0x2d: {  	s3 =	simm.s32 $0x108;
	s8 =	sld [smem:$0x3FB6]  }
0x2e: {  	s3 =	simm.s32 @!p0 $0x1082;
	s9 =	sld [smem:$0x3FB7]  }
0x2f: {  	lr =	sadd.s32 s0, s3;
	s0 =	sld [smem:$0x3FAE]  }
0x30: {  	s3 =	sld [smem:$0x3FB1]  }
0x31: {  	[smem:$0x3FBA] =	sst s10  }
0x32: {  	s10 =	sld [smem:$0x3FB8];
	_ =	sdelay $0x3  }
0x33: {  	p0 =	seq.s32 s10, $0x1;
	s10 =	sld [smem:$0x3FBA];
	_ =	sdelay $0x3  }
0x34: {  	[smem:$0x3FBA] =	sst s10  }
0x35: {  	s10 =	sld [smem:$0x3FB9];
	_ =	sdelay $0x3  }
0x36: {  	p1 =	seq.s32 s10, $0x1;
	s10 =	sld [smem:$0x3FBA];
	_ =	sdelay $0x3  }
0x37: {  	[smem:$0x3FBA] =	sst s10  }
0x38: {  	s10 =	sld [smem:$0x3FBB]  }
0x39: {  	_ = 	snop;
	(pc) =	sbr.ind lr, $3  }
0x3a: {  	_ = 	snop  }
0x3b: {  	_ = 	snop  }
0x3c: {  	p2 =	seq.s32 s10, $0x1;
	s10 =	sld [smem:$0x3FBA]  }
0x3d: {  	_ =	shalt  }
0x3e: {  	_ =	shalt  }
0x3f: {  	_ =	shalt  }
0x40: {  	_ =	shalt  }
0x41: {  	_ =	shalt  }
0x42: {  	_ =	shalt  }
0x43: {  	_ =	shalt  }
0x44: {  	_ =	shalt  }
0x45: {  	_ =	shalt  }
0x46: {  	_ =	shalt  }
0x47: {  	_ =	shalt  }
0x48: {  	_ =	shalt  }
0x49: {  	_ =	shalt  }
0x4a: {  	_ =	shalt  }
0x4b: {  	_ =	shalt  }
0x4c: {  	_ =	shalt  }
0x4d: {  	_ =	shalt  }
0x4e: {  	_ =	shalt  }
0x4f: {  	_ =	shalt  }
0x50: {  	_ =	shalt  }
0x51: {  	_ =	shalt  }
0x52: {  	_ =	shalt  }
0x53: {  	_ =	shalt  }
0x54: {  	_ =	shalt  }
0x55: {  	_ =	shalt  }
0x56: {  	_ =	shalt  }
0x57: {  	_ =	shalt  }
0x58: {  	_ =	shalt  }
0x59: {  	_ =	shalt  }
0x5a: {  	_ =	shalt  }
0x5b: {  	_ =	shalt  }
0x5c: {  	_ =	shalt  }
0x5d: {  	_ =	shalt  }
0x5e: {  	_ =	shalt  }
0x5f: {  	_ =	shalt  }
0x60: {  	_ =	shalt  }
0x61: {  	_ =	shalt  }
0x62: {  	_ =	shalt  }
0x63: {  	_ =	shalt  }
0x64: {  	_ =	shalt  }
0x65: {  	_ =	shalt  }
0x66: {  	_ =	shalt  }
0x67: {  	_ =	shalt  }
0x68: {  	_ =	shalt  }
0x69: {  	_ =	shalt  }
0x6a: {  	_ =	shalt  }
0x6b: {  	_ =	shalt  }
0x6c: {  	_ =	shalt  }
0x6d: {  	_ =	shalt  }
0x6e: {  	_ =	shalt  }
0x6f: {  	_ =	shalt  }
0x70: {  	_ =	shalt  }
0x71: {  	_ =	shalt  }
0x72: {  	_ =	shalt  }
0x73: {  	_ =	shalt  }
0x74: {  	_ =	shalt  }
0x75: {  	_ =	shalt  }
0x76: {  	_ =	shalt  }
0x77: {  	_ =	shalt  }
0x78: {  	_ =	shalt  }
0x79: {  	_ =	shalt  }
0x7a: {  	_ =	shalt  }
0x7b: {  	_ =	shalt  }
0x7c: {  	_ =	shalt  }
0x7d: {  	_ =	shalt  }
0x7e: {  	_ =	shalt  }
0x7f: {  	_ =	shalt  }
0x80: {  	_ =	shalt  }
0x81: {  	_ =	shalt  }
0x82: {  	_ =	shalt  }
0x83: {  	_ =	shalt  }
0x84: {  	_ =	shalt  }
0x85: {  	_ =	shalt  }
0x86: {  	_ =	shalt  }
0x87: {  	_ =	shalt  }
.Lfunc_end0:
.L_simem_size_0:
called_computation_lowered:
.L_overlay_start_0:
0x88: {  	s0 =	sld [smem:$0x3FD9]  }
0x89: {  	s1 =	sld [smem:$0x3FFE];
	_ =	sdelay $0x3  }
0x8a: {  	s0 =	sadd.s32 s1, s0  }
0x8b: {  	[smem:$0x3FC6] =	sst s0  }
0x8c: {  	_ = 	snop  }
0x8d: {  	s0 =	sld [smem:$0x3FD0];
	(tm) =	ssettm $0x1  }
0x8e: {  	s16 =	sld [smem:$0x3FFB];
	_ =	sdelay $0x3  }
0x8f: {  	_ =	strace s16  }
0x90: {  	s1 =	sld [smem:$0x3FFC];
	_ =	sdelay $0x3  }
0x91: {  	_ =	strace s1  }
0x92: {  	s1 =	sld [smem:$0x3FFD];
	_ =	sdelay $0x3  }
0x93: {  	_ =	strace s1  }
0x94: {  	_ =	strace $0x8FFFFFFF  }
0x95: {  	s17 =	sld [smem:$0x3FDB];
	_ =	sdelay $0x1  }
0x96: {  	s2 =	simm.s32 $_scs_section_size  }
0x97: {  	s3 =	simm.s32 $_size__tile_overlayer_lowered;
	s4 =	simm.s32 $_tile_overlayer_lowered  }
0x98: {  	s20 =	simm.s32 $0x1BFF;
	s19 =	sshll.u32 s4, $0x1;
	s1 =	sadd.s32 s2, s17  }
0x99: {  	s5 =	simm.s32 $0x0;
	s18 =	sshll.u32 s3, $0x1;
	s3 =	sadd.s32 s19, s1  }
0x9a: {  	[timem:s5], [sflag:s20] =	dma.local [hbm:s3], s18  }
0x9b: {  	_ =	swait.ge [sflag:s20], s18  }
0x9c: {  	s2 =	ssub.s32 $0x0, s18;
	[sflag:s20] =	ssyncset.done $0x0  }
0x9d: {  	[sflag:s20] =	ssyncadd.s32 s2;
	_ =	sdelay $0x1  }
0x9e: {  	s21 =	simm.s32 $0x1B8B  }
0x9f: {  	_ =	swait.ge [sflag:s21], $0x1  }
0xa0: {  	[sflag:s21] =	ssyncset.done $0x0  }
0xa1: {  	s23 =	simm.s32 $0x1B8E;
	s22 =	sld [smem:$0x3FFE];
	[sflag:s21] =	ssyncadd.s32 $0xFFFFFFFF  }
0xa2: {  	s24 =	simm.s32 $execute0_lowered;
	[smem:$0x3FD2] =	sst s23  }
0xa3: {  	s3 =	sshll.u32 s24, $0x1;
	_ =	strace $0x80000046;
	[dreg:$0x1] =	wrdreg $0xFFFFFFFF  }
0xa4: {  	s25 =	simm.s32 $_size_execute0_lowered;
	s1 =	sadd.s32 s1, s3;
	[dreg:$0x0] =	wrdreg $0x0  }
0xa5: {  	s3 =	sshll.u32 s25, $0x1;
	[dreg:$0x2] =	wrdreg s1  }
0xa6: {  	[dreg:$0x3] =	wrdreg s3  }
0xa7: {  	[dreg:$0x4] =	wrdreg $0xC0  }
0xa8: {  	_ =	task [dreg:s5], $0x5FFFF  }
0xa9: {  	[dreg:$0x1] =	wrdreg $0xFFFFFFFF  }
0xaa: {  	[dreg:$0x0] =	wrdreg $0x60  }
0xab: {  	[dreg:$0x2] =	wrdreg s0  }
0xac: {  	[dreg:$0x3] =	wrdreg s22  }
0xad: {  	[dreg:$0x4] =	wrdreg $0x9  }
0xae: {  	_ =	task.clear_ibuf [dreg:s5], $0x5FFFF;
	_ =	strace $0x90000046  }
0xaf: {  	s26 =	simm.s32 $0x9;
	_ =	strace $0x80000048  }
0xb0: {  	_ =	swait.ge [sflag:s26], $0x1  }
0xb1: {  	[sflag:s26] =	ssyncadd.s32 $0xFFFFFFFF  }
0xb2: {  	_ =	strace $0x90000048  }
0xb3: {  	_ =	sfence  }
0xb4: {  	s28 =	sld [smem:$0x0];
	_ =	sdelay $0x1  }
0xb5: {  	s29 =	srdreg.scid  }
0xb6: {  	s30 =	sshll.u32 s29, $0xD;
	s31 =	sshrl.u32 s29, $0x2  }
0xb7: {  	s2 =	sand.u32 $0x4000, s30;
	s1 =	sand.u32 $0x1, s29;
	s0 =	sadd.s32 s31, s28  }
0xb8: {  	s1 =	sor.u32 s2, s1;
	s0 =	sshll.u32 s0, $0x11  }
0xb9: {  	s0 =	sor.u32 s0, s1  }
0xba: {  	s0 =	sadd.s32 $0x8F2B, s0  }
0xbb: {  	[sflag:s0] =	ssyncadd.remote.s32 $0x1  }
0xbc: {  	_ =	sfence.sel $0xFFFF  }
0xbd: {  	[dreg:$0x0] =	wrdreg $0xFFFFFFFF;
	(pc) =	sbr.abs _section_cstart, $3  }
0xbe: {  	[dreg:$0x1] =	wrdreg $0xFFFFFFFF  }
0xbf: {  	_ =	task.clear_ibuf [dreg:s5], $0x2FFFF;
	_ =	strace $0x9FFFFFFF  }
0xc0: {  	(tm) =	ssettm $0x7FFFFFFF  }
0xc1: {  	_ =	shalt  }
tec
execute0_lowered:
.L_overlay_start_1:
0x0: {  	(tag) =	ssettag $0x1  }
0x1: {  	s5 =	rddreg [dreg:$0x0]  }
0x2: {  	s3 =	rddreg [dreg:$0x1];
	s1 =	stileid.u32  }
0x3: {  	s0 =	rddreg [dreg:$0x2];
	s6 =	simm.s32 $0x0;
	s2 =	smul.u32 $0x1800, s1  }
0x4: {  	s28 =	simm.s32 $0x1800;
	[smem:$0x7FF] =	sst s6  }
0x5: {  	s7 =	sadd.s32 $0x600, s3;
	_ =	strace $0x80000047;
	s4 =	sshrl.u32 s2, $0x3  }
0x6: {  	[tilespmem:s28], [sflag:$0x1] =	stream.linear.gather [hbm4b:s7+s6], $0x80, $0x38;
	[tilespmem:$0x1880] =	vst v63  }
0x7: {  	s29 =	sadd.s32 s5, s4;
	s2 =	sadd.s32 $0x180, s4  }
0x8: {  	[tilespmem:s6], [sflag:$0x1] =	stream.linear.gather [hbm4b:s29+s6], $0xC00, $0x38;
	[tilespmem:$0x1880] =	vst v63  }
0x9: {  	s30 =	simm.s32 $0xC00;
	s31 =	simm.s32 $0x1;
	s5 =	sadd.s32 s5, s2  }
0xa: {  	[tilespmem:s30], [sflag:$0x1] =	stream.linear.gather [hbm4b:s5+s6], $0xC00, $0x38;
	[tilespmem:$0x1880] =	vst v63  }
0xb: {  	_ =	swait.ge [sflag:s31], $0x80  }
0xc: {  	[sflag:s31] =	ssyncset.done $0x0  }
0xd: {  	[sflag:s31] =	ssyncadd.s32 $0xFFFFFF80  }
0xe: {  	v0 =	vld [tilespmem:$0x1800]  }
0xf: {  	v1 =	vld [tilespmem:$0x1810]  }
0x10: {  	v2 =	vld [tilespmem:$0x1820];
	_ =	swait.ge [sflag:s31], $0xC00  }
0x11: {  	[sflag:s31] =	ssyncset.done $0x0  }
0x12: {  	s5 =	simm.s32 $0xC0;
	[sflag:s31] =	ssyncadd.s32 $0xFFFFF400  }
0x13: {  	v3 =	vld [tilespmem:s5+$0xB0]  }
0x14: {  	v4 =	vld [tilespmem:s5+$0xFFFFFF50]  }
0x15: {  	v5 =	vld [tilespmem:s5+$0xFFFFFF60]  }
0x16: {  	v6 =	vld [tilespmem:s5+$0xFFFFFF70]  }
0x17: {  	v7 =	vld [tilespmem:s5+$0xFFFFFF80]  }
0x18: {  	v8 =	vld [tilespmem:s5+$0xFFFFFF90];
	v3 =	vadd.f32 v3, v2  }
0x19: {  	v9 =	vld [tilespmem:s5+$0xFFFFFFA0];
	v4 =	vadd.f32 v4, v1  }
0x1a: {  	v10 =	vld [tilespmem:s5+$0xFFFFFFB0];
	v5 =	vadd.f32 v5, v2;
	[tilespmem:s5+$0xB0] =	vst v3  }
0x1b: {  	[tilespmem:s5+$0xFFFFFF50] =	vst v4;
	v3 =	vadd.f32 v6, v0;
	v4 =	vld [tilespmem:s5+$0xFFFFFFC0]  }
0x1c: {  	[tilespmem:s5+$0xFFFFFF60] =	vst v5;
	v5 =	vadd.f32 v7, v1;
	v6 =	vld [tilespmem:s5+$0xFFFFFFD0]  }
0x1d: {  	v7 =	vld [tilespmem:s5+$0xFFFFFFE0];
	[tilespmem:s5+$0xFFFFFF70] =	vst v3;
	v3 =	vadd.f32 v8, v2  }
0x1e: {  	[tilespmem:s5+$0xFFFFFF80] =	vst v5;
	v5 =	vadd.f32 v9, v0;
	v8 =	vld [tilespmem:s5+$0xFFFFFFF0]  }
0x1f: {  	v9 =	vld [tilespmem:s5+$0x0];
	[tilespmem:s5+$0xFFFFFF90] =	vst v3;
	v3 =	vadd.f32 v10, v1  }
0x20: {  	[tilespmem:s5+$0xFFFFFFA0] =	vst v5;
	v5 =	vld [tilespmem:s5+$0x10];
	v4 =	vadd.f32 v4, v2  }
0x21: {  	[tilespmem:s5+$0xFFFFFFB0] =	vst v3;
	v3 =	vadd.f32 v6, v0;
	v6 =	vld [tilespmem:s5+$0x20]  }
0x22: {  	[tilespmem:s5+$0xFFFFFFC0] =	vst v4;
	v4 =	vadd.f32 v7, v1;
	v7 =	vld [tilespmem:s5+$0x30]  }
0x23: {  	[tilespmem:s5+$0xFFFFFFD0] =	vst v3;
	v3 =	vadd.f32 v8, v2;
	v8 =	vld [tilespmem:s5+$0x40]  }
0x24: {  	[tilespmem:s5+$0xFFFFFFE0] =	vst v4;
	v4 =	vadd.f32 v9, v0;
	v9 =	vld [tilespmem:s5+$0x50]  }
0x25: {  	v10 =	vld [tilespmem:s5+$0x60];
	v5 =	vadd.f32 v5, v1;
	[tilespmem:s5+$0xFFFFFFF0] =	vst v3  }
0x26: {  	v3 =	vld [tilespmem:s5+$0x70];
	[tilespmem:s5+$0x0] =	vst v4;
	v6 =	vadd.f32 v6, v2  }
0x27: {  	[tilespmem:s5+$0x10] =	vst v5;
	v4 =	vld [tilespmem:s5+$0x80];
	v7 =	vadd.f32 v7, v0  }
0x28: {  	v5 =	vld [tilespmem:s5+$0x90];
	[tilespmem:s5+$0x20] =	vst v6;
	v11 =	vadd.f32 v8, v1  }
0x29: {  	v6 =	vld [tilespmem:s5+$0xA0];
	[tilespmem:s5+$0x30] =	vst v7;
	v8 =	vadd.f32 v9, v2  }
0x2a: {  	s3 =	sadd.s32 $0x800, s3;
	s7 =	simm.s32 $0x240;
	s6 =	simm.s32 $0x0;
	v7 =	vld [tilespmem:s5+$0xFFFFFF40];
	v9 =	vadd.f32 v10, v0;
	[tilespmem:s5+$0x40] =	vst v11  }
.LBB2_1:
0x2b: {  	v10 =	vld [tilespmem:s7+$0xB0];
	s6 =	sadd.s32 $0x4, s6;
	[tilespmem:s5+$0x50] =	vst v8;
	v3 =	vadd.f32 v3, v1  }
0x2c: {  	v8 =	vld [tilespmem:s7+$0xFFFFFF50];
	p0 =	slt.u32 s6, $0x1C;
	[tilespmem:s5+$0x60] =	vst v9;
	v4 =	vadd.f32 v4, v2  }
0x2d: {  	v9 =	vld [tilespmem:s7+$0xFFFFFF60];
	[tilespmem:s5+$0x70] =	vst v3;
	v3 =	vadd.f32 v5, v0  }
0x2e: {  	v5 =	vld [tilespmem:s7+$0xFFFFFF70];
	[tilespmem:s5+$0x80] =	vst v4;
	v4 =	vadd.f32 v6, v1  }
0x2f: {  	v6 =	vld [tilespmem:s7+$0xFFFFFF80];
	v7 =	vadd.f32 v7, v0;
	[tilespmem:s5+$0x90] =	vst v3  }
0x30: {  	v3 =	vld [tilespmem:s7+$0xFFFFFF90];
	v10 =	vadd.f32 v10, v2;
	[tilespmem:s5+$0xA0] =	vst v4  }
0x31: {  	v4 =	vadd.f32 v8, v1;
	v8 =	vld [tilespmem:s7+$0xFFFFFFA0];
	[tilespmem:s5+$0xFFFFFF40] =	vst v7;
	s5 =	smov.u32 s7  }
0x32: {  	v7 =	vadd.f32 v9, v2;
	v9 =	vld [tilespmem:s7+$0xFFFFFFB0];
	[tilespmem:s7+$0xB0] =	vst v10  }
0x33: {  	[tilespmem:s7+$0xFFFFFF50] =	vst v4;
	v4 =	vadd.f32 v5, v0;
	v5 =	vld [tilespmem:s7+$0xFFFFFFC0]  }
0x34: {  	[tilespmem:s7+$0xFFFFFF60] =	vst v7;
	v6 =	vadd.f32 v6, v1;
	v7 =	vld [tilespmem:s7+$0xFFFFFFD0]  }
0x35: {  	[tilespmem:s7+$0xFFFFFF70] =	vst v4;
	v3 =	vadd.f32 v3, v2;
	v4 =	vld [tilespmem:s7+$0xFFFFFFE0]  }
0x36: {  	[tilespmem:s7+$0xFFFFFF80] =	vst v6;
	v6 =	vadd.f32 v8, v0;
	v8 =	vld [tilespmem:s7+$0xFFFFFFF0]  }
0x37: {  	[tilespmem:s7+$0xFFFFFF90] =	vst v3;
	v3 =	vadd.f32 v9, v1;
	v9 =	vld [tilespmem:s7+$0x0]  }
0x38: {  	[tilespmem:s7+$0xFFFFFFA0] =	vst v6;
	v5 =	vadd.f32 v5, v2;
	v6 =	vld [tilespmem:s7+$0x10]  }
0x39: {  	[tilespmem:s7+$0xFFFFFFB0] =	vst v3;
	v3 =	vadd.f32 v7, v0;
	v7 =	vld [tilespmem:s7+$0x20]  }
0x3a: {  	[tilespmem:s7+$0xFFFFFFC0] =	vst v5;
	v4 =	vadd.f32 v4, v1;
	v5 =	vld [tilespmem:s7+$0x30]  }
0x3b: {  	[tilespmem:s7+$0xFFFFFFD0] =	vst v3;
	v3 =	vadd.f32 v8, v2;
	v8 =	vld [tilespmem:s7+$0x40]  }
0x3c: {  	[tilespmem:s7+$0xFFFFFFE0] =	vst v4;
	v4 =	vadd.f32 v9, v0;
	v9 =	vld [tilespmem:s7+$0x50]  }
0x3d: {  	[tilespmem:s7+$0xFFFFFFF0] =	vst v3;
	v6 =	vadd.f32 v6, v1;
	v10 =	vld [tilespmem:s7+$0x60]  }
.Ltmp0:
0x3e: {  	[tilespmem:s7+$0x0] =	vst v4;
	v7 =	vadd.f32 v7, v2;
	v3 =	vld [tilespmem:s7+$0x70];
	(pc) =	sbr.rel @p0 .LBB2_1-.Ltmp0, $4  }
0x3f: {  	[tilespmem:s7+$0x10] =	vst v6;
	v6 =	vadd.f32 v5, v0;
	v4 =	vld [tilespmem:s7+$0x80]  }
0x40: {  	[tilespmem:s7+$0x20] =	vst v7;
	v11 =	vadd.f32 v8, v1;
	v5 =	vld [tilespmem:s7+$0x90]  }
0x41: {  	[tilespmem:s7+$0x30] =	vst v6;
	v8 =	vadd.f32 v9, v2;
	v6 =	vld [tilespmem:s7+$0xA0]  }
0x42: {  	s7 =	sadd.s32 $0x180, s7;
	v7 =	vld [tilespmem:s5+$0xFFFFFF40];
	[tilespmem:s5+$0x40] =	vst v11;
	v9 =	vadd.f32 v10, v0  }
0x43: {  	[tilespmem:s5+$0x50] =	vst v8;
	v3 =	vadd.f32 v3, v1  }
0x44: {  	[tilespmem:s5+$0x60] =	vst v9;
	v4 =	vadd.f32 v4, v2  }
0x45: {  	[tilespmem:s5+$0x70] =	vst v3;
	v3 =	vadd.f32 v5, v0  }
0x46: {  	[tilespmem:s5+$0x80] =	vst v4;
	v4 =	vadd.f32 v6, v1  }
0x47: {  	v5 =	vadd.f32 v7, v0;
	[tilespmem:s5+$0x90] =	vst v3  }
0x48: {  	[tilespmem:s5+$0xA0] =	vst v4  }
0x49: {  	s4 =	sadd.s32 s3, s4;
	s30 =	simm.s32 $0x0;
	s31 =	simm.s32 $0x1;
	[tilespmem:s5+$0xFFFFFF40] =	vst v5  }
0x4a: {  	[hbm4b:s4+s30] =	stream.linear.scatter [tilespmem:s30], [sflag:$0x2], $0xC00, $0x38;
	[tilespmem:$0x1880] =	vst v63  }
0x4b: {  	_ =	swait.ge [sflag:s31], $0xC00  }
0x4c: {  	[sflag:s31] =	ssyncset.done $0x0  }
0x4d: {  	s4 =	simm.s32 $0xD70;
	[sflag:s31] =	ssyncadd.s32 $0xFFFFF400  }
0x4e: {  	v3 =	vld [tilespmem:s4+$0x0]  }
0x4f: {  	v4 =	vld [tilespmem:s4+$0xFFFFFEA0]  }
0x50: {  	v5 =	vld [tilespmem:s4+$0xFFFFFEB0]  }
0x51: {  	v6 =	vld [tilespmem:s4+$0xFFFFFEC0]  }
0x52: {  	v7 =	vld [tilespmem:s4+$0xFFFFFED0]  }
0x53: {  	v8 =	vld [tilespmem:s4+$0xFFFFFEE0];
	v3 =	vadd.f32 v3, v2  }
0x54: {  	v9 =	vld [tilespmem:s4+$0xFFFFFEF0];
	v4 =	vadd.f32 v4, v1  }
0x55: {  	v10 =	vld [tilespmem:s4+$0xFFFFFF00];
	v5 =	vadd.f32 v5, v2;
	[tilespmem:s4+$0x0] =	vst v3  }
0x56: {  	[tilespmem:s4+$0xFFFFFEA0] =	vst v4;
	v3 =	vadd.f32 v6, v0;
	v4 =	vld [tilespmem:s4+$0xFFFFFF10]  }
0x57: {  	[tilespmem:s4+$0xFFFFFEB0] =	vst v5;
	v5 =	vadd.f32 v7, v1;
	v6 =	vld [tilespmem:s4+$0xFFFFFF20]  }
0x58: {  	v7 =	vld [tilespmem:s4+$0xFFFFFF30];
	[tilespmem:s4+$0xFFFFFEC0] =	vst v3;
	v3 =	vadd.f32 v8, v2  }
0x59: {  	[tilespmem:s4+$0xFFFFFED0] =	vst v5;
	v5 =	vadd.f32 v9, v0;
	v8 =	vld [tilespmem:s4+$0xFFFFFF40]  }
0x5a: {  	v9 =	vld [tilespmem:s4+$0xFFFFFF50];
	[tilespmem:s4+$0xFFFFFEE0] =	vst v3;
	v3 =	vadd.f32 v10, v1  }
0x5b: {  	[tilespmem:s4+$0xFFFFFEF0] =	vst v5;
	v5 =	vld [tilespmem:s4+$0xFFFFFF60];
	v4 =	vadd.f32 v4, v2  }
0x5c: {  	[tilespmem:s4+$0xFFFFFF00] =	vst v3;
	v3 =	vadd.f32 v6, v0;
	v6 =	vld [tilespmem:s4+$0xFFFFFF70]  }
0x5d: {  	[tilespmem:s4+$0xFFFFFF10] =	vst v4;
	v4 =	vadd.f32 v7, v1;
	v7 =	vld [tilespmem:s4+$0xFFFFFF80]  }
0x5e: {  	[tilespmem:s4+$0xFFFFFF20] =	vst v3;
	v3 =	vadd.f32 v8, v2;
	v8 =	vld [tilespmem:s4+$0xFFFFFF90]  }
0x5f: {  	[tilespmem:s4+$0xFFFFFF30] =	vst v4;
	v4 =	vadd.f32 v9, v0;
	v9 =	vld [tilespmem:s4+$0xFFFFFFA0]  }
0x60: {  	v10 =	vld [tilespmem:s4+$0xFFFFFFB0];
	v5 =	vadd.f32 v5, v1;
	[tilespmem:s4+$0xFFFFFF40] =	vst v3  }
0x61: {  	v3 =	vld [tilespmem:s4+$0xFFFFFFC0];
	[tilespmem:s4+$0xFFFFFF50] =	vst v4;
	v6 =	vadd.f32 v6, v2  }
0x62: {  	[tilespmem:s4+$0xFFFFFF60] =	vst v5;
	v4 =	vld [tilespmem:s4+$0xFFFFFFD0];
	v7 =	vadd.f32 v7, v0  }
0x63: {  	v5 =	vld [tilespmem:s4+$0xFFFFFFE0];
	[tilespmem:s4+$0xFFFFFF70] =	vst v6;
	v11 =	vadd.f32 v8, v1  }
0x64: {  	v6 =	vld [tilespmem:s4+$0xFFFFFFF0];
	[tilespmem:s4+$0xFFFFFF80] =	vst v7;
	v8 =	vadd.f32 v9, v2  }
0x65: {  	s6 =	simm.s32 $0xEF0;
	s5 =	simm.s32 $0x0;
	v7 =	vld [tilespmem:s4+$0xFFFFFE90];
	v9 =	vadd.f32 v10, v0;
	[tilespmem:s4+$0xFFFFFF90] =	vst v11  }
.LBB2_3:
0x66: {  	v10 =	vld [tilespmem:s6+$0x0];
	s5 =	sadd.s32 $0x4, s5;
	[tilespmem:s4+$0xFFFFFFA0] =	vst v8;
	v3 =	vadd.f32 v3, v1  }
0x67: {  	v8 =	vld [tilespmem:s6+$0xFFFFFEA0];
	p0 =	slt.u32 s5, $0x1C;
	[tilespmem:s4+$0xFFFFFFB0] =	vst v9;
	v4 =	vadd.f32 v4, v2  }
0x68: {  	v9 =	vld [tilespmem:s6+$0xFFFFFEB0];
	[tilespmem:s4+$0xFFFFFFC0] =	vst v3;
	v3 =	vadd.f32 v5, v0  }
0x69: {  	v5 =	vld [tilespmem:s6+$0xFFFFFEC0];
	[tilespmem:s4+$0xFFFFFFD0] =	vst v4;
	v4 =	vadd.f32 v6, v1  }
0x6a: {  	v6 =	vld [tilespmem:s6+$0xFFFFFED0];
	v7 =	vadd.f32 v7, v0;
	[tilespmem:s4+$0xFFFFFFE0] =	vst v3  }
0x6b: {  	v3 =	vld [tilespmem:s6+$0xFFFFFEE0];
	v10 =	vadd.f32 v10, v2;
	[tilespmem:s4+$0xFFFFFFF0] =	vst v4  }
0x6c: {  	v4 =	vadd.f32 v8, v1;
	v8 =	vld [tilespmem:s6+$0xFFFFFEF0];
	[tilespmem:s4+$0xFFFFFE90] =	vst v7;
	s4 =	smov.u32 s6  }
0x6d: {  	v7 =	vadd.f32 v9, v2;
	v9 =	vld [tilespmem:s6+$0xFFFFFF00];
	[tilespmem:s6+$0x0] =	vst v10  }
0x6e: {  	[tilespmem:s6+$0xFFFFFEA0] =	vst v4;
	v4 =	vadd.f32 v5, v0;
	v5 =	vld [tilespmem:s6+$0xFFFFFF10]  }
0x6f: {  	[tilespmem:s6+$0xFFFFFEB0] =	vst v7;
	v6 =	vadd.f32 v6, v1;
	v7 =	vld [tilespmem:s6+$0xFFFFFF20]  }
0x70: {  	[tilespmem:s6+$0xFFFFFEC0] =	vst v4;
	v3 =	vadd.f32 v3, v2;
	v4 =	vld [tilespmem:s6+$0xFFFFFF30]  }
0x71: {  	[tilespmem:s6+$0xFFFFFED0] =	vst v6;
	v6 =	vadd.f32 v8, v0;
	v8 =	vld [tilespmem:s6+$0xFFFFFF40]  }
0x72: {  	[tilespmem:s6+$0xFFFFFEE0] =	vst v3;
	v3 =	vadd.f32 v9, v1;
	v9 =	vld [tilespmem:s6+$0xFFFFFF50]  }
0x73: {  	[tilespmem:s6+$0xFFFFFEF0] =	vst v6;
	v5 =	vadd.f32 v5, v2;
	v6 =	vld [tilespmem:s6+$0xFFFFFF60]  }
0x74: {  	[tilespmem:s6+$0xFFFFFF00] =	vst v3;
	v3 =	vadd.f32 v7, v0;
	v7 =	vld [tilespmem:s6+$0xFFFFFF70]  }
0x75: {  	[tilespmem:s6+$0xFFFFFF10] =	vst v5;
	v4 =	vadd.f32 v4, v1;
	v5 =	vld [tilespmem:s6+$0xFFFFFF80]  }
0x76: {  	[tilespmem:s6+$0xFFFFFF20] =	vst v3;
	v3 =	vadd.f32 v8, v2;
	v8 =	vld [tilespmem:s6+$0xFFFFFF90]  }
0x77: {  	[tilespmem:s6+$0xFFFFFF30] =	vst v4;
	v4 =	vadd.f32 v9, v0;
	v9 =	vld [tilespmem:s6+$0xFFFFFFA0]  }
0x78: {  	[tilespmem:s6+$0xFFFFFF40] =	vst v3;
	v6 =	vadd.f32 v6, v1;
	v10 =	vld [tilespmem:s6+$0xFFFFFFB0]  }
.Ltmp1:
0x79: {  	[tilespmem:s6+$0xFFFFFF50] =	vst v4;
	v7 =	vadd.f32 v7, v2;
	v3 =	vld [tilespmem:s6+$0xFFFFFFC0];
	(pc) =	sbr.rel @p0 .LBB2_3-.Ltmp1, $4  }
0x7a: {  	[tilespmem:s6+$0xFFFFFF60] =	vst v6;
	v6 =	vadd.f32 v5, v0;
	v4 =	vld [tilespmem:s6+$0xFFFFFFD0]  }
0x7b: {  	[tilespmem:s6+$0xFFFFFF70] =	vst v7;
	v11 =	vadd.f32 v8, v1;
	v5 =	vld [tilespmem:s6+$0xFFFFFFE0]  }
0x7c: {  	[tilespmem:s6+$0xFFFFFF80] =	vst v6;
	v8 =	vadd.f32 v9, v2;
	v6 =	vld [tilespmem:s6+$0xFFFFFFF0]  }
0x7d: {  	s6 =	sadd.s32 $0x180, s6;
	v7 =	vld [tilespmem:s4+$0xFFFFFE90];
	[tilespmem:s4+$0xFFFFFF90] =	vst v11;
	v9 =	vadd.f32 v10, v0  }
0x7e: {  	[tilespmem:s4+$0xFFFFFFA0] =	vst v8;
	v3 =	vadd.f32 v3, v1  }
0x7f: {  	[tilespmem:s4+$0xFFFFFFB0] =	vst v9;
	v2 =	vadd.f32 v4, v2  }
0x80: {  	[tilespmem:s4+$0xFFFFFFC0] =	vst v3;
	v61 =	vadd.f32 v5, v0  }
0x81: {  	[tilespmem:s4+$0xFFFFFFD0] =	vst v2;
	v62 =	vadd.f32 v6, v1  }
0x82: {  	v63 =	vadd.f32 v7, v0;
	[tilespmem:s4+$0xFFFFFFE0] =	vst v61  }
0x83: {  	s2 =	sadd.s32 s3, s2;
	[tilespmem:s4+$0xFFFFFFF0] =	vst v62  }
0x84: {  	s29 =	simm.s32 $0x0;
	s30 =	simm.s32 $0xC00;
	s31 =	simm.s32 $0x2;
	[tilespmem:s4+$0xFFFFFE90] =	vst v63  }
0x85: {  	[hbm4b:s2+s29] =	stream.linear.scatter [tilespmem:s30], [sflag:$0x2], $0xC00, $0x38;
	[tilespmem:$0x1880] =	vst v63  }
0x86: {  	_ =	swait.ge [sflag:s31], $0xC00  }
0x87: {  	[sflag:s31] =	ssyncset.done $0x0  }
0x88: {  	[sflag:s31] =	ssyncadd.s32 $0xFFFFF400  }
0x89: {  	_ =	swait.ge [sflag:s31], $0xC00  }
0x8a: {  	[sflag:s31] =	ssyncset.done $0x0  }
0x8b: {  	[sflag:s31] =	ssyncadd.s32 $0xFFFFF400  }
0x8c: {  	_ =	sfence.sel $0x180000  }
0x8d: {  	[bflag:$0x0] =	sbarrier.arrive $0xFFFF  }
0x8e: {  	p0 =	sne.s32 s1, $0x0;
	_ =	strace $0x90000047  }
0x8f: {  	s0 =	sadd.s32 @!p0 $0x100000, s0;
	[bflag:$0x2] =	sbarrier.arrive $0xFFFF  }
0x90: {  	[sflag:s0] =	ssyncadd.tile.s32 @!p0 $0x1;
	_ =	shalt  }
.Lfunc_end2:
_tile_overlayer_lowered:
.L_overlay_start_2:
0x91: {  	(tag) =	ssettag $0x2  }
0x92: {  	s0 =	rddreg [dreg:$0x0];
	s2 =	stileid.u32  }
0x93: {  	s1 =	rddreg [dreg:$0x1];
	p0 =	sne.s32 s2, $0x0  }
0x94: {  	s3 =	rddreg [dreg:$0x2];
	[bflag:$0x3] =	sbarrier.arrive $0xFFFF;
	s2 =	simm.s32 @!p0 $0x1C03  }
0x95: {  	[timem:s3], [sflag:s2] =	dma.local @!p0 [hbm:s0], s1  }
0x96: {  	s0 =	simm.s32 @!p0 $0x3  }
0x97: {  	_ =	swait.ge @!p0 [sflag:s0], s1  }
0x98: {  	s1 =	ssub.s32 @!p0 $0x0, s1;
	[sflag:s0] =	ssyncset.done @!p0 $0x0  }
0x99: {  	[sflag:s0] =	ssyncadd.s32 @!p0 s1  }
0x9a: {  	[bflag:$0x3] =	sbarrier.arrive $0xFFFF  }
0x9b: {  	_ =	shalt  }

</sc_bundles>
